<compile_context>
chip_gen: v7x
topology: tpu7x:2x2x1
jax: 0.10.2.dev20260603
libtpu: 0.0.44.dev20260713+nightly
codegen_flags: <defaults>
</compile_context>

<pallas_src>
import jax
import jax.numpy as jnp
from jax import lax
from jax.experimental import pallas as pl
from jax.experimental.pallas import tpu as pltpu
from jax.experimental.pallas import tpu_sc as plsc

B, L = 1024, 512
VOCAB, D = 257, 128
VP = 264
NC, NS = 2, 16
NW = NC * NS
RW = B // NW


def _sc_hist_body(x_hbm, zeros_hbm, out_hbm, x_v, counts_v, sem_x, sem_z):
    wid = lax.axis_index("s") * NC + lax.axis_index("c")
    base = wid * RW
    cp_x = pltpu.async_copy(x_hbm.at[pl.ds(base, RW)], x_v, sem_x)
    cp_z = pltpu.async_copy(zeros_hbm, counts_v, sem_z)
    cp_x.wait()
    cp_z.wait()
    lanes = lax.iota(jnp.int32, 16)
    inv_l = jnp.full((16,), 1.0 / L, jnp.float32)
    grp = [(lanes + g * 16, (lanes + g * 16) * VP) for g in range(RW // 16)]

    @plsc.parallel_loop(0, L - 16, unroll=4, carry=lanes)
    def _(l, col):
        for rows, row_c in grp:
            idx = plsc.load_gather(x_v, [rows, col])
            plsc.addupdate_scatter(counts_v, [row_c + idx], inv_l)
        return col + 1

    @plsc.parallel_loop(L - 16, L, carry=None)
    def _(l):
        col = lanes + l
        col = jnp.where(col >= L, col - L, col)
        for rows, row_c in grp:
            idx = plsc.load_gather(x_v, [rows, col])
            plsc.addupdate_scatter(counts_v, [row_c + idx], inv_l)
    pltpu.sync_copy(counts_v, out_hbm.at[pl.ds(base * VP, RW * VP)])


_sc_hist = pl.kernel(
    _sc_hist_body,
    out_type=jax.ShapeDtypeStruct((B * VP,), jnp.float32),
    mesh=plsc.VectorSubcoreMesh(core_axis_name="c", subcore_axis_name="s"),
    scratch_types=[
        pltpu.VMEM((RW, L), jnp.int32),
        pltpu.VMEM((RW * VP,), jnp.float32),
        pltpu.SemaphoreType.DMA,
        pltpu.SemaphoreType.DMA,
    ],
    compiler_params=pltpu.CompilerParams(needs_layout_passes=False),
)


def _dot_f32(a, b):
    bf16, f32 = jnp.bfloat16, jnp.float32
    a_hi = a.astype(bf16)
    a_lo = (a - a_hi.astype(f32)).astype(bf16)
    b_hi = b.astype(bf16)
    b_lo = (b - b_hi.astype(f32)).astype(bf16)
    dims = (((1,), (0,)), ((), ()))

    def mm(p, q):
        return jax.lax.dot_general(p, q, dims, preferred_element_type=f32)

    return ((mm(a_lo, b_lo) + mm(a_lo, b_hi)) +
            (mm(a_hi, b_lo) + mm(a_hi, b_hi)))


def _dot_bf16(a, b):
    return jax.lax.dot_general(a.astype(jnp.bfloat16), b.astype(jnp.bfloat16),
                               (((1,), (0,)), ((), ())),
                               preferred_element_type=jnp.float32)


def _mlp_body(counts_ref, table_ref, w1_ref, b1_ref, w2_ref, b2_ref,
              w3_ref, b3_ref, w4_ref, b4_ref, out_ref):
    pooled = _dot_f32(counts_ref[:, :VOCAB], table_ref[...])
    h = jnp.maximum(_dot_bf16(pooled, w1_ref[...]) + b1_ref[...], 0.0)
    h = jnp.maximum(_dot_bf16(h, w2_ref[...]) + b2_ref[...], 0.0)
    h = jnp.maximum(_dot_bf16(h, w3_ref[...]) + b3_ref[...], 0.0)
    out_ref[...] = _dot_bf16(h, w4_ref[...]) + b4_ref[...]


_mlp = pl.pallas_call(
    _mlp_body,
    out_shape=jax.ShapeDtypeStruct((B, 2), jnp.float32),
)


def kernel(x, table, W1, b1, W2, b2, W3, b3, W4, b4):
    x = x.astype(jnp.int32)
    zeros = jnp.zeros((RW * VP,), jnp.float32)
    counts = _sc_hist(x, zeros).reshape(B, VP)
    return _mlp(counts, table, W1, b1[None, :], W2, b2[None, :],
                W3, b3[None, :], W4, b4[None, :])

# --- scband reference (transcript-rebuilt; emitter-appended) ---
"""Pipeline reference for scband-malware-model-65652870087184 (READ-ONLY COPY).

The authoritative reference and input builder live on the scoring server;
editing this copy changes nothing except your own understanding.
"""

import jax, jax.numpy as jnp
import numpy as np

B, L = 1024, 512
VOCAB, D = 257, 128


def setup_inputs(seed: int = 0) -> dict:
    key = jax.random.key(seed)
    ks = jax.random.split(key, 10)
    x = jax.random.randint(ks[0], (B, L), 0, VOCAB, dtype=jnp.int64 if jax.config.jax_enable_x64 else jnp.int32)
    table = jax.random.normal(ks[1], (VOCAB, D), dtype=jnp.float32) * 0.02
    W1 = jax.random.normal(ks[2], (D, 256), dtype=jnp.float32) * (1.0 / np.sqrt(D))
    b1 = jnp.zeros((256,), dtype=jnp.float32)
    W2 = jax.random.normal(ks[3], (256, 256), dtype=jnp.float32) * (1.0 / np.sqrt(256))
    b2 = jnp.zeros((256,), dtype=jnp.float32)
    W3 = jax.random.normal(ks[4], (256, 128), dtype=jnp.float32) * (1.0 / np.sqrt(256))
    b3 = jnp.zeros((128,), dtype=jnp.float32)
    W4 = jax.random.normal(ks[5], (128, 2), dtype=jnp.float32) * (1.0 / np.sqrt(128))
    b4 = jnp.zeros((2,), dtype=jnp.float32)
    return {"x": x, "table": table, "W1": W1, "b1": b1, "W2": W2, "b2": b2, "W3": W3, "b3": b3, "W4": W4, "b4": b4}


def reference(x, table, W1, b1, W2, b2, W3, b3, W4, b4):
    # embedding lookup: [B, L] -> [B, L, D]
    emb = jnp.take(table, x, axis=0)
    # permute(0,2,1) + AdaptiveAvgPool1d(1) + squeeze == mean over sequence axis
    pooled = jnp.mean(emb, axis=1)  # [B, D]
    # dropout is identity in eval mode
    h = jax.nn.relu(pooled @ W1 + b1)
    h = jax.nn.relu(h @ W2 + b2)
    h = jax.nn.relu(h @ W3 + b3)
    out = h @ W4 + b4  # [B, 2]
    return out

if __name__ == "__main__":
    import jax
    _d = setup_inputs()
    print(jax.jit(kernel)(*tuple(_d.values())))

</pallas_src>

<mosaic_0001>
#map = affine_map<(d0, d1) -> (0, 0)>
#map1 = affine_map<(d0, d1) -> (0)>
module attributes {stable_mosaic.version = 14 : i64} {
  func.func @_sc_hist_body(%arg0: i32, %arg1: i32, %arg2: memref<1024x512xi32, #tpu.memory_space<hbm>>, %arg3: memref<8448xf32, #tpu.memory_space<hbm>>, %arg4: memref<270336xf32, #tpu.memory_space<hbm>>, %arg5: memref<32x512xi32, #tpu.memory_space<vmem>>, %arg6: memref<8448xf32, #tpu.memory_space<vmem>>, %arg7: memref<!tpu.dma_semaphore, #tpu.memory_space<semaphore_mem>>, %arg8: memref<!tpu.dma_semaphore, #tpu.memory_space<semaphore_mem>>) attributes {dimension_semantics = [#tpu.dimension_semantics<core_parallel>, #tpu.dimension_semantics<subcore_parallel>], iteration_bounds = array<i64: 2, 16>, scalar_prefetch = 0 : i64, scratch_operands = 4 : i64, tpu.core_type = #tpu.core_type<sc_vector_subcore>, window_params = [{transform_indices = #map}, {transform_indices = #map1}, {transform_indices = #map1}]} {
    %mul3A = arith.constant 2 : i32
    %mul3A_0 = arith.muli %arg1, %mul3A : i32
    %add3A = arith.addi %mul3A_0, %arg0 : i32
    %mul3A_1 = arith.constant 32 : i32
    %mul3A_2 = arith.muli %add3A, %mul3A_1 : i32
    %dma_start3A = arith.constant 0 : i32
    %dma_start3A_3 = tpu.memref_slice %arg2[%mul3A_2, %dma_start3A] : memref<1024x512xi32, #tpu.memory_space<hbm>> -> memref<32x512xi32, #tpu.memory_space<hbm>>
    %dma_start3A_4 = arith.constant 0 : i32
    %dma_start3A_5 = tpu.memref_slice %arg2[%mul3A_2, %dma_start3A_4] : memref<1024x512xi32, #tpu.memory_space<hbm>> -> memref<32x512xi32, #tpu.memory_space<hbm>>
    tpu.enqueue_dma source(%dma_start3A_5 : memref<32x512xi32, #tpu.memory_space<hbm>>) target(%arg5 : memref<32x512xi32, #tpu.memory_space<vmem>>) target_semaphore(%arg7 : memref<!tpu.dma_semaphore, #tpu.memory_space<semaphore_mem>>)
    tpu.enqueue_dma source(%arg3 : memref<8448xf32, #tpu.memory_space<hbm>>) target(%arg6 : memref<8448xf32, #tpu.memory_space<vmem>>) target_semaphore(%arg8 : memref<!tpu.dma_semaphore, #tpu.memory_space<semaphore_mem>>)
    %dma_wait3A = arith.constant 0 : i32
    %dma_wait3A_6 = tpu.memref_slice %arg2[%mul3A_2, %dma_wait3A] : memref<1024x512xi32, #tpu.memory_space<hbm>> -> memref<32x512xi32, #tpu.memory_space<hbm>>
    %dma_wait3A_7 = arith.constant 0 : i32
    %dma_wait3A_8 = tpu.memref_slice %arg2[%mul3A_2, %dma_wait3A_7] : memref<1024x512xi32, #tpu.memory_space<hbm>> -> memref<32x512xi32, #tpu.memory_space<hbm>>
    tpu.wait_dma2 semaphore(%arg7 : memref<!tpu.dma_semaphore, #tpu.memory_space<semaphore_mem>>) src(%dma_wait3A_8 : memref<32x512xi32, #tpu.memory_space<hbm>>) dst(%arg5 : memref<32x512xi32, #tpu.memory_space<vmem>>)
    tpu.wait_dma2 semaphore(%arg8 : memref<!tpu.dma_semaphore, #tpu.memory_space<semaphore_mem>>) src(%arg3 : memref<8448xf32, #tpu.memory_space<hbm>>) dst(%arg6 : memref<8448xf32, #tpu.memory_space<vmem>>)
    %iota3A = tpu.iota {dimensions = array<i32: 0>} : vector<16xi32>
    %broadcast_in_dim3A = arith.constant 0.001953125 : f32
    %broadcast_in_dim3A_9 = vector.broadcast %broadcast_in_dim3A : f32 to vector<16xf32>
    %add3A_10 = arith.constant 0 : i32
    %add3A_11 = vector.broadcast %add3A_10 : i32 to vector<16xi32>
    %add3A_12 = arith.addi %iota3A, %add3A_11 : vector<16xi32>
    %add3A_13 = arith.constant 0 : i32
    %add3A_14 = vector.broadcast %add3A_13 : i32 to vector<16xi32>
    %add3A_15 = arith.addi %iota3A, %add3A_14 : vector<16xi32>
    %mul3A_16 = arith.constant 264 : i32
    %mul3A_17 = vector.broadcast %mul3A_16 : i32 to vector<16xi32>
    %mul3A_18 = arith.muli %add3A_15, %mul3A_17 : vector<16xi32>
    %add3A_19 = arith.constant 16 : i32
    %add3A_20 = vector.broadcast %add3A_19 : i32 to vector<16xi32>
    %add3A_21 = arith.addi %iota3A, %add3A_20 : vector<16xi32>
    %add3A_22 = arith.constant 16 : i32
    %add3A_23 = vector.broadcast %add3A_22 : i32 to vector<16xi32>
    %add3A_24 = arith.addi %iota3A, %add3A_23 : vector<16xi32>
    %mul3A_25 = arith.constant 264 : i32
    %mul3A_26 = vector.broadcast %mul3A_25 : i32 to vector<16xi32>
    %mul3A_27 = arith.muli %add3A_24, %mul3A_26 : vector<16xi32>
    %parallel_loop3A = arith.constant 0 : i32
    %parallel_loop3A_28 = arith.constant 496 : i32
    %parallel_loop3A_29 = arith.constant 1 : i32
    %parallel_loop3A_30 = scf.for %parallel_loop3A_36 = %parallel_loop3A to %parallel_loop3A_28 step %parallel_loop3A_29 iter_args(%parallel_loop3A_37 = %iota3A) -> (vector<16xi32>)  : i32 {
      %parallel_loop3A_38 = tpu.vector_load_idx %arg5[%add3A_12, %parallel_loop3A_37] : memref<32x512xi32, #tpu.memory_space<vmem>>[vector<16xi32>, vector<16xi32>], vector<16xi32>,
      %parallel_loop3A_39 = arith.addi %mul3A_18, %parallel_loop3A_38 : vector<16xi32>
      tpu.vector_store_idx %arg6[%parallel_loop3A_39], %broadcast_in_dim3A_9 {add = true} : memref<8448xf32, #tpu.memory_space<vmem>>[vector<16xi32>], vector<16xf32>,
      %parallel_loop3A_40 = tpu.vector_load_idx %arg5[%add3A_21, %parallel_loop3A_37] : memref<32x512xi32, #tpu.memory_space<vmem>>[vector<16xi32>, vector<16xi32>], vector<16xi32>,
      %parallel_loop3A_41 = arith.addi %mul3A_27, %parallel_loop3A_40 : vector<16xi32>
      tpu.vector_store_idx %arg6[%parallel_loop3A_41], %broadcast_in_dim3A_9 {add = true} : memref<8448xf32, #tpu.memory_space<vmem>>[vector<16xi32>], vector<16xf32>,
      %parallel_loop3A_42 = arith.constant 1 : i32
      %parallel_loop3A_43 = vector.broadcast %parallel_loop3A_42 : i32 to vector<16xi32>
      %parallel_loop3A_44 = arith.addi %parallel_loop3A_37, %parallel_loop3A_43 : vector<16xi32>
      scf.yield %parallel_loop3A_44 : vector<16xi32>
    } {sc.loop_unroll_factor = 4 : i64, sc.parallel_access}
    %parallel_loop3A_31 = arith.constant 496 : i32
    %parallel_loop3A_32 = arith.constant 512 : i32
    %parallel_loop3A_33 = arith.constant 1 : i32
    scf.for %parallel_loop3A_36 = %parallel_loop3A_31 to %parallel_loop3A_32 step %parallel_loop3A_33  : i32 {
      %parallel_loop3A_37 = vector.broadcast %parallel_loop3A_36 : i32 to vector<16xi32>
      %parallel_loop3A_38 = arith.addi %iota3A, %parallel_loop3A_37 : vector<16xi32>
      %parallel_loop3A_39 = arith.constant 512 : i32
      %parallel_loop3A_40 = vector.broadcast %parallel_loop3A_39 : i32 to vector<16xi32>
      %parallel_loop3A_41 = arith.cmpi sge, %parallel_loop3A_38, %parallel_loop3A_40 : vector<16xi32>
      %parallel_loop3A_42 = arith.constant 512 : i32
      %parallel_loop3A_43 = vector.broadcast %parallel_loop3A_42 : i32 to vector<16xi32>
      %parallel_loop3A_44 = arith.subi %parallel_loop3A_38, %parallel_loop3A_43 : vector<16xi32>
      %parallel_loop3A_45 = arith.select %parallel_loop3A_41, %parallel_loop3A_44, %parallel_loop3A_38 : vector<16xi1>, vector<16xi32>
      %parallel_loop3A_46 = tpu.vector_load_idx %arg5[%add3A_12, %parallel_loop3A_45] : memref<32x512xi32, #tpu.memory_space<vmem>>[vector<16xi32>, vector<16xi32>], vector<16xi32>,
      %parallel_loop3A_47 = arith.addi %mul3A_18, %parallel_loop3A_46 : vector<16xi32>
      tpu.vector_store_idx %arg6[%parallel_loop3A_47], %broadcast_in_dim3A_9 {add = true} : memref<8448xf32, #tpu.memory_space<vmem>>[vector<16xi32>], vector<16xf32>,
      %parallel_loop3A_48 = tpu.vector_load_idx %arg5[%add3A_21, %parallel_loop3A_45] : memref<32x512xi32, #tpu.memory_space<vmem>>[vector<16xi32>, vector<16xi32>], vector<16xi32>,
      %parallel_loop3A_49 = arith.addi %mul3A_27, %parallel_loop3A_48 : vector<16xi32>
      tpu.vector_store_idx %arg6[%parallel_loop3A_49], %broadcast_in_dim3A_9 {add = true} : memref<8448xf32, #tpu.memory_space<vmem>>[vector<16xi32>], vector<16xf32>,
    } {sc.loop_unroll_factor = 1 : i64, sc.parallel_access}
    %mul3A_34 = arith.constant 264 : i32
    %mul3A_35 = arith.muli %mul3A_2, %mul3A_34 : i32
    "tpu.region"() ({
      %run_scoped3A = tpu.sem_alloc : memref<!tpu.dma_semaphore, #tpu.memory_space<semaphore_mem>>
      %dma_start3A_36 = tpu.memref_slice %arg4[%mul3A_35] : memref<270336xf32, #tpu.memory_space<hbm>> -> memref<8448xf32, #tpu.memory_space<hbm>>
      %dma_start3A_37 = tpu.memref_slice %arg4[%mul3A_35] : memref<270336xf32, #tpu.memory_space<hbm>> -> memref<8448xf32, #tpu.memory_space<hbm>>
      tpu.enqueue_dma source(%arg6 : memref<8448xf32, #tpu.memory_space<vmem>>) target(%dma_start3A_37 : memref<8448xf32, #tpu.memory_space<hbm>>) target_semaphore(%run_scoped3A : memref<!tpu.dma_semaphore, #tpu.memory_space<semaphore_mem>>)
      %dma_wait3A_38 = tpu.memref_slice %arg4[%mul3A_35] : memref<270336xf32, #tpu.memory_space<hbm>> -> memref<8448xf32, #tpu.memory_space<hbm>>
      %dma_wait3A_39 = tpu.memref_slice %arg4[%mul3A_35] : memref<270336xf32, #tpu.memory_space<hbm>> -> memref<8448xf32, #tpu.memory_space<hbm>>
      tpu.wait_dma2 semaphore(%run_scoped3A : memref<!tpu.dma_semaphore, #tpu.memory_space<semaphore_mem>>) src(%arg6 : memref<8448xf32, #tpu.memory_space<vmem>>) dst(%dma_wait3A_39 : memref<8448xf32, #tpu.memory_space<hbm>>)
      tpu.yield
    }) : () -> ()
    return
  }
}

module attributes {stable_mosaic.version = 14 : i64} {
  func.func @_mlp_body(%arg0: memref<1024x264xf32, #tpu.memory_space<vmem>>, %arg1: memref<257x128xf32, #tpu.memory_space<vmem>>, %arg2: memref<128x256xf32, #tpu.memory_space<vmem>>, %arg3: memref<1x256xf32, #tpu.memory_space<vmem>>, %arg4: memref<256x256xf32, #tpu.memory_space<vmem>>, %arg5: memref<1x256xf32, #tpu.memory_space<vmem>>, %arg6: memref<256x128xf32, #tpu.memory_space<vmem>>, %arg7: memref<1x128xf32, #tpu.memory_space<vmem>>, %arg8: memref<128x2xf32, #tpu.memory_space<vmem>>, %arg9: memref<1x2xf32, #tpu.memory_space<vmem>>, %arg10: memref<1024x2xf32, #tpu.memory_space<vmem>>) attributes {dimension_semantics = [], scalar_prefetch = 0 : i64, scratch_operands = 0 : i64, tpu.core_type = #tpu.core_type<tc>} {
    %get3A = arith.constant 0 : index
    %get3A_0 = arith.constant 0 : index
    %get3A_1 = vector.load %arg0[%get3A, %get3A_0] : memref<1024x264xf32, #tpu.memory_space<vmem>>, vector<1024x257xf32>
    %get3A_2 = arith.constant 0 : index
    %get3A_3 = arith.constant 0 : index
    %get3A_4 = vector.load %arg1[%get3A_2, %get3A_3] : memref<257x128xf32, #tpu.memory_space<vmem>>, vector<257x128xf32>
    %convert_element_type3A = arith.truncf %get3A_1 : vector<1024x257xf32> to vector<1024x257xbf16>
    %convert_element_type3A_5 = arith.extf %convert_element_type3A : vector<1024x257xbf16> to vector<1024x257xf32>
    %sub3A = arith.subf %get3A_1, %convert_element_type3A_5 : vector<1024x257xf32>
    %convert_element_type3A_6 = arith.truncf %sub3A : vector<1024x257xf32> to vector<1024x257xbf16>
    %convert_element_type3A_7 = arith.truncf %get3A_4 : vector<257x128xf32> to vector<257x128xbf16>
    %convert_element_type3A_8 = arith.extf %convert_element_type3A_7 : vector<257x128xbf16> to vector<257x128xf32>
    %sub3A_9 = arith.subf %get3A_4, %convert_element_type3A_8 : vector<257x128xf32>
    %convert_element_type3A_10 = arith.truncf %sub3A_9 : vector<257x128xf32> to vector<257x128xbf16>
    %dot_general3A = arith.constant dense<0.000000e+00> : vector<1024x128xf32>
    %dot_general3A_11 = tpu.matmul %convert_element_type3A_6, %convert_element_type3A_10, %dot_general3A {dimension_numbers = #tpu.dot_dimension_numbers<[1], [0], [0], [1], [0, 0, 1, 1], [], []>, transpose_lhs_hint = false} : vector<1024x257xbf16>, vector<257x128xbf16>, vector<1024x128xf32> -> vector<1024x128xf32>
    %dot_general3A_12 = arith.constant dense<0.000000e+00> : vector<1024x128xf32>
    %dot_general3A_13 = tpu.matmul %convert_element_type3A_6, %convert_element_type3A_7, %dot_general3A_12 {dimension_numbers = #tpu.dot_dimension_numbers<[1], [0], [0], [1], [0, 0, 1, 1], [], []>, transpose_lhs_hint = false} : vector<1024x257xbf16>, vector<257x128xbf16>, vector<1024x128xf32> -> vector<1024x128xf32>
    %add3A = arith.addf %dot_general3A_11, %dot_general3A_13 : vector<1024x128xf32>
    %dot_general3A_14 = arith.constant dense<0.000000e+00> : vector<1024x128xf32>
    %dot_general3A_15 = tpu.matmul %convert_element_type3A, %convert_element_type3A_10, %dot_general3A_14 {dimension_numbers = #tpu.dot_dimension_numbers<[1], [0], [0], [1], [0, 0, 1, 1], [], []>, transpose_lhs_hint = false} : vector<1024x257xbf16>, vector<257x128xbf16>, vector<1024x128xf32> -> vector<1024x128xf32>
    %dot_general3A_16 = arith.constant dense<0.000000e+00> : vector<1024x128xf32>
    %dot_general3A_17 = tpu.matmul %convert_element_type3A, %convert_element_type3A_7, %dot_general3A_16 {dimension_numbers = #tpu.dot_dimension_numbers<[1], [0], [0], [1], [0, 0, 1, 1], [], []>, transpose_lhs_hint = false} : vector<1024x257xbf16>, vector<257x128xbf16>, vector<1024x128xf32> -> vector<1024x128xf32>
    %add3A_18 = arith.addf %dot_general3A_15, %dot_general3A_17 : vector<1024x128xf32>
    %add3A_19 = arith.addf %add3A, %add3A_18 : vector<1024x128xf32>
    %get3A_20 = arith.constant 0 : index
    %get3A_21 = arith.constant 0 : index
    %get3A_22 = vector.load %arg2[%get3A_20, %get3A_21] : memref<128x256xf32, #tpu.memory_space<vmem>>, vector<128x256xf32>
    %convert_element_type3A_23 = arith.truncf %add3A_19 : vector<1024x128xf32> to vector<1024x128xbf16>
    %convert_element_type3A_24 = arith.truncf %get3A_22 : vector<128x256xf32> to vector<128x256xbf16>
    %dot_general3A_25 = arith.constant dense<0.000000e+00> : vector<1024x256xf32>
    %dot_general3A_26 = tpu.matmul %convert_element_type3A_23, %convert_element_type3A_24, %dot_general3A_25 {dimension_numbers = #tpu.dot_dimension_numbers<[1], [0], [0], [1], [0, 0, 1, 1], [], []>, transpose_lhs_hint = false} : vector<1024x128xbf16>, vector<128x256xbf16>, vector<1024x256xf32> -> vector<1024x256xf32>
    %get3A_27 = arith.constant 0 : index
    %get3A_28 = arith.constant 0 : index
    %get3A_29 = vector.load %arg3[%get3A_27, %get3A_28] : memref<1x256xf32, #tpu.memory_space<vmem>>, vector<1x256xf32>
    %add3A_30 = vector.broadcast %get3A_29 : vector<1x256xf32> to vector<1024x256xf32>
    %add3A_31 = arith.addf %dot_general3A_26, %add3A_30 : vector<1024x256xf32>
    %max3A = arith.constant 0.000000e+00 : f32
    %max3A_32 = vector.broadcast %max3A : f32 to vector<1024x256xf32>
    %max3A_33 = arith.maximumf %add3A_31, %max3A_32 : vector<1024x256xf32>
    %get3A_34 = arith.constant 0 : index
    %get3A_35 = arith.constant 0 : index
    %get3A_36 = vector.load %arg4[%get3A_34, %get3A_35] : memref<256x256xf32, #tpu.memory_space<vmem>>, vector<256x256xf32>
    %convert_element_type3A_37 = arith.truncf %max3A_33 : vector<1024x256xf32> to vector<1024x256xbf16>
    %convert_element_type3A_38 = arith.truncf %get3A_36 : vector<256x256xf32> to vector<256x256xbf16>
    %dot_general3A_39 = arith.constant dense<0.000000e+00> : vector<1024x256xf32>
    %dot_general3A_40 = tpu.matmul %convert_element_type3A_37, %convert_element_type3A_38, %dot_general3A_39 {dimension_numbers = #tpu.dot_dimension_numbers<[1], [0], [0], [1], [0, 0, 1, 1], [], []>, transpose_lhs_hint = false} : vector<1024x256xbf16>, vector<256x256xbf16>, vector<1024x256xf32> -> vector<1024x256xf32>
    %get3A_41 = arith.constant 0 : index
    %get3A_42 = arith.constant 0 : index
    %get3A_43 = vector.load %arg5[%get3A_41, %get3A_42] : memref<1x256xf32, #tpu.memory_space<vmem>>, vector<1x256xf32>
    %add3A_44 = vector.broadcast %get3A_43 : vector<1x256xf32> to vector<1024x256xf32>
    %add3A_45 = arith.addf %dot_general3A_40, %add3A_44 : vector<1024x256xf32>
    %max3A_46 = arith.constant 0.000000e+00 : f32
    %max3A_47 = vector.broadcast %max3A_46 : f32 to vector<1024x256xf32>
    %max3A_48 = arith.maximumf %add3A_45, %max3A_47 : vector<1024x256xf32>
    %get3A_49 = arith.constant 0 : index
    %get3A_50 = arith.constant 0 : index
    %get3A_51 = vector.load %arg6[%get3A_49, %get3A_50] : memref<256x128xf32, #tpu.memory_space<vmem>>, vector<256x128xf32>
    %convert_element_type3A_52 = arith.truncf %max3A_48 : vector<1024x256xf32> to vector<1024x256xbf16>
    %convert_element_type3A_53 = arith.truncf %get3A_51 : vector<256x128xf32> to vector<256x128xbf16>
    %dot_general3A_54 = arith.constant dense<0.000000e+00> : vector<1024x128xf32>
    %dot_general3A_55 = tpu.matmul %convert_element_type3A_52, %convert_element_type3A_53, %dot_general3A_54 {dimension_numbers = #tpu.dot_dimension_numbers<[1], [0], [0], [1], [0, 0, 1, 1], [], []>, transpose_lhs_hint = false} : vector<1024x256xbf16>, vector<256x128xbf16>, vector<1024x128xf32> -> vector<1024x128xf32>
    %get3A_56 = arith.constant 0 : index
    %get3A_57 = arith.constant 0 : index
    %get3A_58 = vector.load %arg7[%get3A_56, %get3A_57] : memref<1x128xf32, #tpu.memory_space<vmem>>, vector<1x128xf32>
    %add3A_59 = vector.broadcast %get3A_58 : vector<1x128xf32> to vector<1024x128xf32>
    %add3A_60 = arith.addf %dot_general3A_55, %add3A_59 : vector<1024x128xf32>
    %max3A_61 = arith.constant 0.000000e+00 : f32
    %max3A_62 = vector.broadcast %max3A_61 : f32 to vector<1024x128xf32>
    %max3A_63 = arith.maximumf %add3A_60, %max3A_62 : vector<1024x128xf32>
    %get3A_64 = arith.constant 0 : index
    %get3A_65 = arith.constant 0 : index
    %get3A_66 = vector.load %arg8[%get3A_64, %get3A_65] : memref<128x2xf32, #tpu.memory_space<vmem>>, vector<128x2xf32>
    %convert_element_type3A_67 = arith.truncf %max3A_63 : vector<1024x128xf32> to vector<1024x128xbf16>
    %convert_element_type3A_68 = arith.truncf %get3A_66 : vector<128x2xf32> to vector<128x2xbf16>
    %dot_general3A_69 = arith.constant dense<0.000000e+00> : vector<1024x2xf32>
    %dot_general3A_70 = tpu.matmul %convert_element_type3A_67, %convert_element_type3A_68, %dot_general3A_69 {dimension_numbers = #tpu.dot_dimension_numbers<[1], [0], [0], [1], [0, 0, 1, 1], [], []>, transpose_lhs_hint = false} : vector<1024x128xbf16>, vector<128x2xbf16>, vector<1024x2xf32> -> vector<1024x2xf32>
    %get3A_71 = arith.constant 0 : index
    %get3A_72 = arith.constant 0 : index
    %get3A_73 = vector.load %arg9[%get3A_71, %get3A_72] : memref<1x2xf32, #tpu.memory_space<vmem>>, vector<1x2xf32>
    %add3A_74 = vector.broadcast %get3A_73 : vector<1x2xf32> to vector<1024x2xf32>
    %add3A_75 = arith.addf %dot_general3A_70, %add3A_74 : vector<1024x2xf32>
    %swap3A = arith.constant 0 : index
    %swap3A_76 = arith.constant 0 : index
    %swap3A_77 = vector.load %arg10[%swap3A, %swap3A_76] : memref<1024x2xf32, #tpu.memory_space<vmem>>, vector<1024x2xf32>
    tpu.vector_store %arg10[%swap3A, %swap3A_76], %add3A_75 {strides = array<i32>} : memref<1024x2xf32, #tpu.memory_space<vmem>>, vector<1024x2xf32>,
    return
  }
}

</mosaic_0001>

<sc_bundles>
// kernel: kernel.4.cloned.1.call-start
scs
__scs_entry_jumppad:
0x0: {  	(pc) =	sbr.rel $0x88, $3  }
0x1: {  	(tag) =	ssettag $0x0;
	lr =	simm.s32 $0x1  }
0x2: {  	[smem:$0x3F97] =	sst lr;
	_ =	strace $0xD0000000  }
0x3: {  	_ = 	snop  }
0x4: {  	_ = 	snop  }
0x5: {  	_ = 	snop  }
0x6: {  	_ = 	snop  }
0x7: {  	_ = 	snop  }
__scs_overlays_trampoline_lowered:
0x8: {  	[smem:$0x3FA6] =	sst s0  }
0x9: {  	[smem:$0x3FA7] =	sst s1  }
0xa: {  	[smem:$0x3FA8] =	sst s2  }
0xb: {  	[smem:$0x3FA9] =	sst s3  }
0xc: {  	[smem:$0x3FAA] =	sst s4  }
0xd: {  	[smem:$0x3FAB] =	sst s5  }
0xe: {  	[smem:$0x3FAC] =	sst s6  }
0xf: {  	[smem:$0x3FAD] =	sst s7  }
0x10: {  	[smem:$0x3FAE] =	sst s8  }
0x11: {  	[smem:$0x3FAF] =	sst s9;
	s0 =	simm.s32 @!p0 $0x0  }
0x12: {  	s1 =	sld [smem:$0x3F95];
	s0 =	simm.s32 @p0 $0x1  }
0x13: {  	[smem:$0x3FB0] =	sst s0;
	s0 =	simm.s32 @!p1 $0x0  }
0x14: {  	s2 =	sld [smem:$0x3F94];
	s0 =	simm.s32 @p1 $0x1  }
0x15: {  	[smem:$0x3FB1] =	sst s0;
	s0 =	simm.s32 @!p2 $0x0  }
0x16: {  	s3 =	sld [smem:$0x3FDB];
	s0 =	simm.s32 @p2 $0x1  }
0x17: {  	s4 =	simm.s32 $0x1BF5;
	[smem:$0x3FB3] =	sst s0  }
0x18: {  	s0 =	sld [smem:$0x3F96];
	_ =	swait.ge [sflag:s4], $0x0  }
0x19: {  	s7 =	sld [smem:$0x3F97]  }
0x1a: {  	s8 =	sadd.s32 $0xFFFFE003, lr  }
0x1b: {  	s9 =	sadd.s32 $0xFFFFFEF7, lr;
	s5 =	simm.s32 $0xFFFFFFFF;
	p2 =	slt.u32 s8, $0xFFFFF086  }
0x1c: {  	p1 =	slt.u32 s9, $0xF7A;
	s5 =	simm.s32 @!p2 $0x0  }
0x1d: {  	s5 =	simm.s32 @p1 $0x1;
	p0 =	seq.s32 s7, s2  }
0x1e: {  	s7 =	smul.u32 @!p0 $0xF7A, s2;
	p2 =	seq.s32 @!p0 s5, $0x0  }
0x1f: {  	s9 =	smul.u32 $0xF7A, s1;
	s8 =	simm.s32 @!p0 $0x1BF5;
	p2 =	por !p2, p0  }
0x20: {  	[sflag:s8] =	ssyncset.s32 @!p0 $0xFFFFF086;
	s6 =	sadd.s32 @!p0 s3, s7;
	s7 =	simm.s32 @!p0 $0x108  }
0x21: {  	s3 =	sadd.s32 s3, s9;
	s6 =	sadd.s32 @!p0 $0x88, s6;
	s7 =	simm.s32 @p2 $0x1082  }
0x22: {  	[simem:s7], [sflag:s8] =	dma.local @!p0 [hbm:s6], $0xF7A  }
0x23: {  	s9 =	sor.u32 $0xD0000000, s2;
	s6 =	simm.s32 $0x108;
	_ =	swait.ge @!p0 [sflag:s8], $0x0  }
0x24: {  	s3 =	sadd.s32 $0x88, s3;
	s6 =	simm.s32 @!p1 $0x1082;
	[sflag:s4] =	ssyncset.s32 $0xFFFFF086  }
0x25: {  	[simem:s6], [sflag:s4] =	dma.local [hbm:s3], $0xF7A  }
0x26: {  	[smem:$0x3F97] =	sst s1;
	(tag) =	ssettag s2;
	_ =	strace s9  }
0x27: {  	s1 =	sld [smem:$0x3FA7]  }
0x28: {  	s2 =	sld [smem:$0x3FA8]  }
0x29: {  	s4 =	sld [smem:$0x3FAA]  }
0x2a: {  	p0 =	seq.s32 s5, $0x0;
	s5 =	sld [smem:$0x3FAB]  }
0x2b: {  	s6 =	sld [smem:$0x3FAC]  }
0x2c: {  	s7 =	sld [smem:$0x3FAD]  }
0x2d: {  	s3 =	simm.s32 $0x108;
	s8 =	sld [smem:$0x3FAE]  }
0x2e: {  	s3 =	simm.s32 @!p0 $0x1082;
	s9 =	sld [smem:$0x3FAF]  }
0x2f: {  	lr =	sadd.s32 s0, s3;
	s0 =	sld [smem:$0x3FA6]  }
0x30: {  	s3 =	sld [smem:$0x3FA9]  }
0x31: {  	[smem:$0x3FB2] =	sst s10  }
0x32: {  	s10 =	sld [smem:$0x3FB0];
	_ =	sdelay $0x3  }
0x33: {  	p0 =	seq.s32 s10, $0x1;
	s10 =	sld [smem:$0x3FB2];
	_ =	sdelay $0x3  }
0x34: {  	[smem:$0x3FB2] =	sst s10  }
0x35: {  	s10 =	sld [smem:$0x3FB1];
	_ =	sdelay $0x3  }
0x36: {  	p1 =	seq.s32 s10, $0x1;
	s10 =	sld [smem:$0x3FB2];
	_ =	sdelay $0x3  }
0x37: {  	[smem:$0x3FB2] =	sst s10  }
0x38: {  	s10 =	sld [smem:$0x3FB3]  }
0x39: {  	_ = 	snop;
	(pc) =	sbr.ind lr, $3  }
0x3a: {  	_ = 	snop  }
0x3b: {  	_ = 	snop  }
0x3c: {  	p2 =	seq.s32 s10, $0x1;
	s10 =	sld [smem:$0x3FB2]  }
0x3d: {  	_ =	shalt  }
0x3e: {  	_ =	shalt  }
0x3f: {  	_ =	shalt  }
0x40: {  	_ =	shalt  }
0x41: {  	_ =	shalt  }
0x42: {  	_ =	shalt  }
0x43: {  	_ =	shalt  }
0x44: {  	_ =	shalt  }
0x45: {  	_ =	shalt  }
0x46: {  	_ =	shalt  }
0x47: {  	_ =	shalt  }
0x48: {  	_ =	shalt  }
0x49: {  	_ =	shalt  }
0x4a: {  	_ =	shalt  }
0x4b: {  	_ =	shalt  }
0x4c: {  	_ =	shalt  }
0x4d: {  	_ =	shalt  }
0x4e: {  	_ =	shalt  }
0x4f: {  	_ =	shalt  }
0x50: {  	_ =	shalt  }
0x51: {  	_ =	shalt  }
0x52: {  	_ =	shalt  }
0x53: {  	_ =	shalt  }
0x54: {  	_ =	shalt  }
0x55: {  	_ =	shalt  }
0x56: {  	_ =	shalt  }
0x57: {  	_ =	shalt  }
0x58: {  	_ =	shalt  }
0x59: {  	_ =	shalt  }
0x5a: {  	_ =	shalt  }
0x5b: {  	_ =	shalt  }
0x5c: {  	_ =	shalt  }
0x5d: {  	_ =	shalt  }
0x5e: {  	_ =	shalt  }
0x5f: {  	_ =	shalt  }
0x60: {  	_ =	shalt  }
0x61: {  	_ =	shalt  }
0x62: {  	_ =	shalt  }
0x63: {  	_ =	shalt  }
0x64: {  	_ =	shalt  }
0x65: {  	_ =	shalt  }
0x66: {  	_ =	shalt  }
0x67: {  	_ =	shalt  }
0x68: {  	_ =	shalt  }
0x69: {  	_ =	shalt  }
0x6a: {  	_ =	shalt  }
0x6b: {  	_ =	shalt  }
0x6c: {  	_ =	shalt  }
0x6d: {  	_ =	shalt  }
0x6e: {  	_ =	shalt  }
0x6f: {  	_ =	shalt  }
0x70: {  	_ =	shalt  }
0x71: {  	_ =	shalt  }
0x72: {  	_ =	shalt  }
0x73: {  	_ =	shalt  }
0x74: {  	_ =	shalt  }
0x75: {  	_ =	shalt  }
0x76: {  	_ =	shalt  }
0x77: {  	_ =	shalt  }
0x78: {  	_ =	shalt  }
0x79: {  	_ =	shalt  }
0x7a: {  	_ =	shalt  }
0x7b: {  	_ =	shalt  }
0x7c: {  	_ =	shalt  }
0x7d: {  	_ =	shalt  }
0x7e: {  	_ =	shalt  }
0x7f: {  	_ =	shalt  }
0x80: {  	_ =	shalt  }
0x81: {  	_ =	shalt  }
0x82: {  	_ =	shalt  }
0x83: {  	_ =	shalt  }
0x84: {  	_ =	shalt  }
0x85: {  	_ =	shalt  }
0x86: {  	_ =	shalt  }
0x87: {  	_ =	shalt  }
.Lfunc_end0:
.L_simem_size_0:
called_computation_lowered:
.L_overlay_start_0:
0x88: {  	s2 =	sld [smem:$0x3FD9]  }
0x89: {  	s3 =	sld [smem:$0x3FFE];
	_ =	sdelay $0x1  }
0x8a: {  	s1 =	srdreg.scid  }
0x8b: {  	s0 =	sand.u32 $0x1, s1  }
0x8c: {  	s17 =	sshll.u32 s0, $0xA;
	s2 =	sadd.s32 s3, s2  }
0x8d: {  	s2 =	sadd.s32 s2, s17  }
0x8e: {  	[smem:$0x3FBE] =	sst s2  }
0x8f: {  	_ = 	snop  }
0x90: {  	s2 =	sld [smem:$0x3FC9];
	(tm) =	ssettm $0x1  }
0x91: {  	s18 =	sld [smem:$0x3FFB];
	_ =	sdelay $0x3  }
0x92: {  	_ =	strace s18  }
0x93: {  	s3 =	sld [smem:$0x3FFC];
	_ =	sdelay $0x3  }
0x94: {  	_ =	strace s3  }
0x95: {  	s3 =	sld [smem:$0x3FFD];
	_ =	sdelay $0x3  }
0x96: {  	_ =	strace s3  }
0x97: {  	_ =	strace $0x8FFFFFFF  }
0x98: {  	s19 =	sld [smem:$0x3FDB];
	_ =	sdelay $0x1  }
0x99: {  	s4 =	simm.s32 $_scs_section_size  }
0x9a: {  	s5 =	simm.s32 $_size__tile_overlayer_lowered;
	s6 =	simm.s32 $_tile_overlayer_lowered  }
0x9b: {  	s22 =	simm.s32 $0x1BFF;
	s21 =	sshll.u32 s6, $0x1;
	s3 =	sadd.s32 s4, s19  }
0x9c: {  	s7 =	simm.s32 $0x0;
	s20 =	sshll.u32 s5, $0x1;
	s5 =	sadd.s32 s21, s3  }
0x9d: {  	[timem:s7], [sflag:s22] =	dma.local [hbm:s5], s20  }
0x9e: {  	_ =	swait.ge [sflag:s22], s20  }
0x9f: {  	s4 =	ssub.s32 $0x0, s20;
	[sflag:s22] =	ssyncset.done $0x0  }
0xa0: {  	[sflag:s22] =	ssyncadd.s32 s4;
	_ =	sdelay $0x1  }
0xa1: {  	s23 =	simm.s32 $0x1B8B  }
0xa2: {  	_ =	swait.ge [sflag:s23], $0x1  }
0xa3: {  	[sflag:s23] =	ssyncset.done $0x0  }
0xa4: {  	s25 =	simm.s32 $0x1B8E;
	s24 =	sld [smem:$0x3FFE];
	[sflag:s23] =	ssyncadd.s32 $0xFFFFFFFF  }
0xa5: {  	s26 =	simm.s32 $execute0_lowered;
	[smem:$0x3FD2] =	sst s25  }
0xa6: {  	s5 =	sshll.u32 s26, $0x1;
	_ =	strace $0x80000046;
	[dreg:$0x1] =	wrdreg $0xFFFFFFFF  }
0xa7: {  	s28 =	simm.s32 $_size_execute0_lowered;
	s3 =	sadd.s32 s3, s5;
	[dreg:$0x0] =	wrdreg $0x0  }
0xa8: {  	s5 =	sshll.u32 s28, $0x1;
	[dreg:$0x2] =	wrdreg s3  }
0xa9: {  	[dreg:$0x3] =	wrdreg s5  }
0xaa: {  	[dreg:$0x4] =	wrdreg $0xC0  }
0xab: {  	_ =	task [dreg:s7], $0x5FFFF  }
0xac: {  	[dreg:$0x1] =	wrdreg $0xFFFFFFFF  }
0xad: {  	[dreg:$0x0] =	wrdreg $0x60  }
0xae: {  	[dreg:$0x2] =	wrdreg s2  }
0xaf: {  	[dreg:$0x3] =	wrdreg s24  }
0xb0: {  	[dreg:$0x4] =	wrdreg $0x9  }
0xb1: {  	_ =	task.clear_ibuf [dreg:s7], $0x5FFFF;
	_ =	strace $0x90000046  }
0xb2: {  	s29 =	simm.s32 $0x9;
	_ =	strace $0x80000048  }
0xb3: {  	_ =	swait.ge [sflag:s29], $0x1  }
0xb4: {  	[sflag:s29] =	ssyncadd.s32 $0xFFFFFFFF  }
0xb5: {  	_ =	strace $0x90000048  }
0xb6: {  	_ =	sfence  }
0xb7: {  	s30 =	sld [smem:$0x0];
	_ =	sdelay $0x2  }
0xb8: {  	s31 =	sshll.u32 s1, $0xD;
	s1 =	sshrl.u32 s1, $0x2  }
0xb9: {  	s3 =	sand.u32 $0x4000, s31;
	s1 =	sadd.s32 s1, s30  }
0xba: {  	s0 =	sor.u32 s3, s0;
	s1 =	sshll.u32 s1, $0x11  }
0xbb: {  	s0 =	sor.u32 s1, s0  }
0xbc: {  	s0 =	sadd.s32 $0x8F2B, s0  }
0xbd: {  	[sflag:s0] =	ssyncadd.remote.s32 $0x1  }
0xbe: {  	_ =	sfence.sel $0xFFFF  }
0xbf: {  	[dreg:$0x0] =	wrdreg $0xFFFFFFFF;
	(pc) =	sbr.abs _section_cstart, $3  }
0xc0: {  	[dreg:$0x1] =	wrdreg $0xFFFFFFFF  }
0xc1: {  	_ =	task.clear_ibuf [dreg:s7], $0x2FFFF;
	_ =	strace $0x9FFFFFFF  }
0xc2: {  	(tm) =	ssettm $0x7FFFFFFF  }
0xc3: {  	_ =	shalt  }
tec
execute0_lowered:
.L_overlay_start_1:
0x0: {  	(tag) =	ssettag $0x1  }
0x1: {  	v0 =	vimm.s32 $0x1380;
	vm0 =	vcmask $0x300  }
0x2: {  	vm1 =	vcmask $0x704;
	v0 =	vsel vm0, $0x0, v0  }
0x3: {  	vm2 =	vcmask $0xB08;
	v1 =	vimm.s32 $0x3380;
	v0 =	vsel vm1, $0x80, v0  }
0x4: {  	vm3 =	vcmask $0xF0C;
	v1 =	vsel vm0, $0x2000, v1;
	v0 =	vsel vm2, $0x100, v0  }
0x5: {  	vm15 =	vcmask $0x1310;
	v1 =	vsel vm1, $0x2080, v1;
	v0 =	vsel vm3, $0x180, v0  }
0x6: {  	vm6 =	vcmask $0x1714;
	v1 =	vsel vm2, $0x2100, v1;
	v0 =	vsel vm15, $0x200, v0  }
0x7: {  	vm7 =	vcmask $0x1B18;
	v1 =	vsel vm3, $0x2180, v1;
	v0 =	vsel vm6, $0x280, v0  }
0x8: {  	vm8 =	vcmask $0x1F1C;
	v1 =	vsel vm15, $0x2200, v1;
	v0 =	vsel vm7, $0x300, v0  }
0x9: {  	vm9 =	vcmask $0x2320;
	v1 =	vsel vm6, $0x2280, v1;
	v0 =	vsel vm8, $0x380, v0  }
0xa: {  	s4 =	rddreg [dreg:$0x0];
	s1 =	srdreg.scid;
	vm10 =	vcmask $0x2724;
	v1 =	vsel vm7, $0x2300, v1;
	v0 =	vsel vm9, $0x1000, v0  }
0xb: {  	s0 =	stileid.u32;
	s5 =	rddreg [dreg:$0x1];
	vm11 =	vcmask $0x2B28;
	s2 =	simm.s32 $0x0;
	v1 =	vsel vm8, $0x2380, v1;
	v0 =	vsel vm10, $0x1080, v0  }
0xc: {  	vm12 =	vcmask $0x2F2C;
	s9 =	simm.s32 $0x2;
	s10 =	simm.s32 $0x3;
	s11 =	simm.s32 $0x0;
	v1 =	vsel vm9, $0x3000, v1;
	v0 =	vsel vm11, $0x1100, v0  }
0xd: {  	vm13 =	vcmask $0x3330;
	s6 =	sand.u32 $0x1, s1;
	s3 =	sshll.u32 s0, $0x1;
	s1 =	rddreg [dreg:$0x2];
	v1 =	vsel vm10, $0x3080, v1;
	v0 =	vsel vm12, $0x1180, v0  }
0xe: {  	vm14 =	vcmask $0x3734;
	[smem:$0x7FF] =	sst s2;
	s7 =	sor.u32 s6, s3;
	s6 =	ssub.s32 $0x2, s6;
	v1 =	vsel vm11, $0x3100, v1;
	v0 =	vsel vm13, $0x1200, v0  }
0xf: {  	_ =	strace $0x80000047;
	s8 =	smul.u32 $0x420, s7;
	s31 =	sshrl.u32 s6, $0x1;
	v3 =	vsel vm12, $0x3180, v1;
	v2 =	vsel vm14, $0x1280, v0;
	v0 =	vlaneseq.u32  }
0x10: {  	s3 =	sadd.s32 $0x1600, s5;
	s7 =	sshll.u32 s7, $0xB;
	s6 =	ssub.s32 s6, s31;
	vm15 =	vcmask $0x3B38;
	v4 =	vsel vm13, $0x3200, v3;
	v1 =	vmul.u32 $0x108, v0  }
0x11: {  	s4 =	sadd.s32 s4, s7;
	s7 =	simm.s32 $0x4000;
	s5 =	sadd.s32 s8, s5;
	v3 =	vimm.f32 $1.953125000e-03;
	v4 =	vsel vm14, $0x3280, v4;
	v2 =	vsel vm15, $0x1300, v2  }
0x12: {  	s6 =	smax.u32 s6, $0x1;
	s8 =	simm.s32 $0x1;
	s5 =	sadd.s32 $0x1C00, s5;
	v4 =	vsel vm15, $0x3300, v4;
	v6 =	vor.u32 $0xFFFFFE00, v0;
	v5 =	vadd.s32 $0x1080, v1  }
.LBB2_1:
0x13: {  	[tilespmem:s2], [sflag:$0x1] =	stream.linear.gather [hbm4b:s4+s2], $0x4000, $0x38;
	v7 =	vadd.s32 $0x1, v0;
	[tilespmem:$0x6100] =	vst v63  }
0x14: {  	v8 =	vshll.u32 v7, $0x3  }
0x15: {  	v9 =	vadd.s32 $0x2, v0;
	v7 =	vand.u32 $0x7F, v7;
	[tilespmem:s7], [sflag:$0x2] =	stream.linear.gather [hbm4b:s3+s2], $0x2100, $0x38;
	v8 =	vand.u32 $0xFFFFFC00, v8;
	[tilespmem:$0x6100] =	vst v63  }
0x16: {  	v10 =	vshll.u32 v9, $0x3;
	_ =	swait.ge [sflag:s8], $0x4000;
	v7 =	vor.u32 v7, v8  }
0x17: {  	v9 =	vand.u32 $0x7F, v9;
	v8 =	vand.u32 $0xFFFFFC00, v10;
	[sflag:s8] =	ssyncset.done $0x0;
	v10 =	vadd.s32 v2, v7  }
0x18: {  	v8 =	vor.u32 v9, v8;
	[sflag:s8] =	ssyncadd.s32 $0xFFFFC000  }
0x19: {  	v9 =	vadd.s32 $0x3, v0;
	v11 =	vadd.s32 v2, v8;
	_ =	swait.ge [sflag:s9], $0x2100  }
0x1a: {  	v12 =	vshll.u32 v0, $0x3;
	v13 =	vshll.u32 v9, $0x3;
	[sflag:s9] =	ssyncset.done $0x0  }
0x1b: {  	v14 =	vadd.s32 $0x4, v0;
	v9 =	vand.u32 $0x7F, v9;
	v13 =	vand.u32 $0xFFFFFC00, v13;
	[sflag:s9] =	ssyncadd.s32 $0xFFFFDF00  }
0x1c: {  	v15 =	vand.u32 $0x7F, v0;
	v9 =	vor.u32 v9, v13;
	v13 =	vadd.s32 $0x1, v14;
	v10 =	vld.idx.msk [tilespmem:v10+s2+$0x0], $0xffff  }
0x1d: {  	v12 =	vand.u32 $0xFFFFFC00, v12;
	v16 =	vadd.s32 v2, v9;
	v17 =	vshll.u32 v13, $0x3  }
0x1e: {  	v12 =	vor.u32 v15, v12;
	v13 =	vand.u32 $0x7F, v13;
	v15 =	vand.u32 $0xFFFFFC00, v17;
	v11 =	vld.idx.msk [tilespmem:v11+s2+$0x0], $0xffff  }
0x1f: {  	v18 =	vadd.s32 $0x3, v14;
	v17 =	vadd.s32 v2, v12;
	v13 =	vor.u32 v13, v15  }
0x20: {  	v21 =	vand.u32 $0x7F, v18;
	v15 =	vadd.s32 $0x2, v14;
	v19 =	vadd.s32 v2, v13  }
0x21: {  	v18 =	vshll.u32 v18, $0x3;
	v20 =	vshll.u32 v15, $0x3;
	v10 =	vadd.s32 v1, v10  }
0x22: {  	v7 =	vadd.s32 v4, v7;
	v15 =	vand.u32 $0x7F, v15;
	v20 =	vand.u32 $0xFFFFFC00, v20;
	v16 =	vld.idx.msk [tilespmem:v16+s2+$0x0], $0xffff  }
0x23: {  	v18 =	vand.u32 $0xFFFFFC00, v18;
	v15 =	vor.u32 v15, v20;
	v11 =	vadd.s32 v1, v11  }
0x24: {  	v24 =	vor.u32 v21, v18;
	v17 =	vld.idx.msk [tilespmem:v17+s2+$0x0], $0xffff;
	v20 =	vadd.s32 v2, v15  }
0x25: {  	v21 =	vadd.s32 v2, v24;
	v19 =	vld.idx.msk [tilespmem:v19+s2+$0x0], $0xffff  }
0x26: {  	v8 =	vadd.s32 v4, v8;
	[tilespmem:v10+s7+$0x0] =	vst.idx.add.f32.msk $0xffff, v3  }
0x27: {  	v18 =	vshll.u32 v14, $0x3;
	v16 =	vadd.s32 v1, v16;
	v7 =	vld.idx.msk [tilespmem:v7+s2+$0x0], $0xffff  }
0x28: {  	v22 =	vand.u32 $0x7F, v14;
	v18 =	vand.u32 $0xFFFFFC00, v18;
	v9 =	vadd.s32 v4, v9;
	[tilespmem:v11+s7+$0x0] =	vst.idx.add.f32.msk $0xffff, v3  }
0x29: {  	v10 =	vor.u32 v22, v18;
	v11 =	vadd.s32 v1, v17;
	v17 =	vld.idx.msk [tilespmem:v20+s2+$0x0], $0xffff  }
0x2a: {  	v25 =	vadd.s32 $0x4, v14;
	v18 =	vadd.s32 v2, v10;
	v20 =	vld.idx.msk [tilespmem:v21+s2+$0x0], $0xffff  }
0x2b: {  	v12 =	vadd.s32 v4, v12;
	v14 =	vadd.s32 v1, v19;
	v8 =	vld.idx.msk [tilespmem:v8+s2+$0x0], $0xffff;
	v19 =	vadd.s32 $0x1, v25  }
0x2c: {  	v13 =	vadd.s32 v4, v13;
	[tilespmem:v16+s7+$0x0] =	vst.idx.add.f32.msk $0xffff, v3;
	v21 =	vadd.s32 v5, v7;
	v7 =	vshll.u32 v19, $0x3  }
0x2d: {  	v16 =	vadd.s32 $0x2, v25;
	v27 =	vld.idx.msk [tilespmem:v9+s2+$0x0], $0xffff;
	v19 =	vand.u32 $0x7F, v19;
	v7 =	vand.u32 $0xFFFFFC00, v7  }
0x2e: {  	v22 =	vadd.s32 $0x3, v25;
	v23 =	vshll.u32 v16, $0x3;
	[tilespmem:v11+s7+$0x0] =	vst.idx.add.f32.msk $0xffff, v3;
	v11 =	vor.u32 v19, v7  }
0x2f: {  	v16 =	vand.u32 $0x7F, v16;
	v18 =	vld.idx.msk [tilespmem:v18+s2+$0x0], $0xffff;
	v17 =	vadd.s32 v1, v17;
	v19 =	vadd.s32 v2, v11  }
0x30: {  	[tilespmem:v14+s7+$0x0] =	vst.idx.add.f32.msk $0xffff, v3;
	v14 =	vshll.u32 v22, $0x3;
	v28 =	vadd.s32 v5, v8;
	v7 =	vand.u32 $0xFFFFFC00, v23  }
0x31: {  	v12 =	vld.idx.msk [tilespmem:v12+s2+$0x0], $0xffff;
	v14 =	vand.u32 $0xFFFFFC00, v14;
	v7 =	vor.u32 v16, v7;
	v16 =	vand.u32 $0x7F, v22  }
0x32: {  	v29 =	vld.idx.msk [tilespmem:v13+s2+$0x0], $0xffff;
	v26 =	vadd.s32 v2, v7;
	v8 =	vor.u32 v16, v14  }
0x33: {  	v9 =	vshll.u32 v25, $0x3;
	v13 =	vadd.s32 v2, v8;
	[tilespmem:v21+s7+$0x0] =	vst.idx.add.f32.msk $0xffff, v3  }
0x34: {  	v9 =	vand.u32 $0xFFFFFC00, v9;
	v14 =	vand.u32 $0x7F, v25;
	v23 =	vld.idx.msk [tilespmem:v19+s2+$0x0], $0xffff;
	v19 =	vadd.s32 v4, v15  }
0x35: {  	v22 =	vadd.s32 v1, v20;
	v9 =	vor.u32 v14, v9;
	[tilespmem:v17+s7+$0x0] =	vst.idx.add.f32.msk $0xffff, v3  }
0x36: {  	v21 =	vadd.s32 v2, v9;
	[tilespmem:v28+s7+$0x0] =	vst.idx.add.f32.msk $0xffff, v3  }
0x37: {  	v16 =	vadd.s32 v4, v24;
	v14 =	vadd.s32 v5, v12;
	v15 =	vld.idx.msk [tilespmem:v26+s2+$0x0], $0xffff  }
0x38: {  	v20 =	vadd.s32 v1, v18;
	v18 =	vadd.s32 v4, v10;
	v17 =	vadd.s32 v4, v11;
	v13 =	vld.idx.msk [tilespmem:v13+s2+$0x0], $0xffff  }
0x39: {  	s13 =	simm.s32 $0x8;
	v11 =	vadd.s32 $0x4, v25;
	v12 =	vadd.s32 v5, v27;
	v10 =	vadd.s32 v5, v29;
	v19 =	vld.idx.msk [tilespmem:v19+s2+$0x0], $0xffff  }
.LBB2_2:
0x3a: {  	v24 =	vshll.u32 v11, $0x3;
	v25 =	vadd.s32 $0x1, v11;
	s13 =	sadd.s32 $0x4, s13;
	v23 =	vadd.s32 v1, v23;
	[tilespmem:v22+s7+$0x0] =	vst.idx.add.f32.msk $0xffff, v3;
	s12 =	simm.s32 $0x1F0  }
0x3b: {  	v22 =	vand.u32 $0x7F, v11;
	v27 =	vadd.s32 $0x2, v11;
	v26 =	vshll.u32 v25, $0x3;
	p0 =	slt.u32 s13, $0x1EC;
	v28 =	vld.idx.msk [tilespmem:v21+s2+$0x0], $0xffff  }
0x3c: {  	v21 =	vand.u32 $0xFFFFFC00, v24;
	v24 =	vand.u32 $0x7F, v25;
	v25 =	vadd.s32 $0x3, v11;
	[tilespmem:v14+s7+$0x0] =	vst.idx.add.f32.msk $0xffff, v3  }
0x3d: {  	v14 =	vand.u32 $0xFFFFFC00, v26;
	v26 =	vshll.u32 v27, $0x3;
	v29 =	vand.u32 $0x7F, v25;
	[tilespmem:v20+s7+$0x0] =	vst.idx.add.f32.msk $0xffff, v3  }
0x3e: {  	v24 =	vor.u32 v24, v14;
	v14 =	vand.u32 $0xFFFFFC00, v26;
	v20 =	vshll.u32 v25, $0x3;
	[tilespmem:v12+s7+$0x0] =	vst.idx.add.f32.msk $0xffff, v3  }
0x3f: {  	v15 =	vadd.s32 v1, v15;
	v25 =	vand.u32 $0x7F, v27;
	v12 =	vadd.s32 v2, v24;
	[tilespmem:v23+s7+$0x0] =	vst.idx.add.f32.msk $0xffff, v3  }
0x40: {  	v26 =	vor.u32 v22, v21;
	v14 =	vor.u32 v25, v14;
	v19 =	vadd.s32 v5, v19;
	v18 =	vld.idx.msk [tilespmem:v18+s2+$0x0], $0xffff  }
0x41: {  	v20 =	vand.u32 $0xFFFFFC00, v20;
	v25 =	vadd.s32 v2, v14;
	v16 =	vld.idx.msk [tilespmem:v16+s2+$0x0], $0xffff  }
0x42: {  	v27 =	vor.u32 v29, v20;
	v29 =	vld.idx.msk [tilespmem:v17+s2+$0x0], $0xffff  }
0x43: {  	v22 =	vadd.s32 v1, v13;
	v17 =	vadd.s32 v2, v27;
	[tilespmem:v10+s7+$0x0] =	vst.idx.add.f32.msk $0xffff, v3  }
0x44: {  	v30 =	vadd.s32 v4, v7;
	v21 =	vadd.s32 v2, v26;
	v7 =	vmov v14;
	v23 =	vld.idx.msk [tilespmem:v12+s2+$0x0], $0xffff  }
.Ltmp0:
0x45: {  	v20 =	vadd.s32 v1, v28;
	[tilespmem:v15+s7+$0x0] =	vst.idx.add.f32.msk $0xffff, v3;
	(pc) =	sbr.rel @p0 .LBB2_2-.Ltmp0, $4  }
0x46: {  	v14 =	vadd.s32 v5, v18;
	v15 =	vld.idx.msk [tilespmem:v25+s2+$0x0], $0xffff  }
0x47: {  	v12 =	vadd.s32 v5, v16;
	[tilespmem:v19+s7+$0x0] =	vst.idx.add.f32.msk $0xffff, v3  }
0x48: {  	v18 =	vadd.s32 v4, v9;
	v9 =	vmovc v26;
	v16 =	vadd.s32 v4, v8;
	v8 =	vmov v27;
	v13 =	vld.idx.msk [tilespmem:v17+s2+$0x0], $0xffff  }
0x49: {  	v11 =	vadd.s32 $0x4, v11;
	v10 =	vadd.s32 v5, v29;
	v17 =	vadd.s32 v4, v24;
	v19 =	vld.idx.msk [tilespmem:v30+s2+$0x0], $0xffff  }
0x4a: {  	_ =	sdelay $0x3  }
0x4b: {  	v11 =	vadd.s32 v1, v23;
	v21 =	vld.idx.msk [tilespmem:v21+s2+$0x0], $0xffff  }
0x4c: {  	[tilespmem:v22+s7+$0x0] =	vst.idx.add.f32.msk $0xffff, v3  }
0x4d: {  	[tilespmem:v20+s7+$0x0] =	vst.idx.add.f32.msk $0xffff, v3  }
0x4e: {  	[tilespmem:v14+s7+$0x0] =	vst.idx.add.f32.msk $0xffff, v3;
	v15 =	vadd.s32 v1, v15  }
0x4f: {  	v7 =	vadd.s32 v4, v7;
	v16 =	vld.idx.msk [tilespmem:v16+s2+$0x0], $0xffff  }
0x50: {  	v13 =	vadd.s32 v1, v13;
	[tilespmem:v11+s7+$0x0] =	vst.idx.add.f32.msk $0xffff, v3  }
0x51: {  	v8 =	vadd.s32 v4, v8;
	v11 =	vld.idx.msk [tilespmem:v18+s2+$0x0], $0xffff  }
0x52: {  	v63 =	vadd.s32 v1, v21;
	v17 =	vld.idx.msk [tilespmem:v17+s2+$0x0], $0xffff  }
0x53: {  	v9 =	vadd.s32 v4, v9;
	[tilespmem:v15+s7+$0x0] =	vst.idx.add.f32.msk $0xffff, v3  }
0x54: {  	v7 =	vld.idx.msk [tilespmem:v7+s2+$0x0], $0xffff  }
0x55: {  	[tilespmem:v13+s7+$0x0] =	vst.idx.add.f32.msk $0xffff, v3  }
0x56: {  	v8 =	vld.idx.msk [tilespmem:v8+s2+$0x0], $0xffff  }
0x57: {  	v13 =	vadd.s32 v5, v19;
	[tilespmem:v63+s7+$0x0] =	vst.idx.add.f32.msk $0xffff, v3  }
0x58: {  	v15 =	vadd.s32 s12, v0;
	v14 =	vadd.s32 v5, v16;
	v9 =	vld.idx.msk [tilespmem:v9+s2+$0x0], $0xffff  }
0x59: {  	v16 =	vadd.s32 s12, v6;
	vm0 =	vgt.u32 v15, $0x1FF;
	v11 =	vadd.s32 v5, v11  }
0x5a: {  	[tilespmem:v12+s7+$0x0] =	vst.idx.add.f32.msk $0xffff, v3;
	v15 =	vsel vm0, v16, v15;
	v12 =	vadd.s32 v5, v17  }
0x5b: {  	[tilespmem:v10+s7+$0x0] =	vst.idx.add.f32.msk $0xffff, v3;
	v10 =	vshll.u32 v15, $0x3;
	v7 =	vadd.s32 v5, v7  }
0x5c: {  	v10 =	vand.u32 $0xFFFFFC00, v10;
	[tilespmem:v13+s7+$0x0] =	vst.idx.add.f32.msk $0xffff, v3;
	v13 =	vand.u32 $0x7F, v15;
	v8 =	vadd.s32 v5, v8  }
0x5d: {  	s26 =	simm.s32 $0x1F1;
	[tilespmem:v14+s7+$0x0] =	vst.idx.add.f32.msk $0xffff, v3;
	v10 =	vor.u32 v13, v10;
	v9 =	vadd.s32 v5, v9  }
0x5e: {  	[tilespmem:v11+s7+$0x0] =	vst.idx.add.f32.msk $0xffff, v3;
	v11 =	vadd.s32 s26, v0;
	v13 =	vadd.s32 v2, v10  }
0x5f: {  	v14 =	vadd.s32 s26, v6;
	vm11 =	vgt.u32 v11, $0x1FF;
	[tilespmem:v12+s7+$0x0] =	vst.idx.add.f32.msk $0xffff, v3  }
0x60: {  	v11 =	vsel vm11, v14, v11;
	[tilespmem:v7+s7+$0x0] =	vst.idx.add.f32.msk $0xffff, v3  }
0x61: {  	v7 =	vshll.u32 v11, $0x3;
	[tilespmem:v8+s7+$0x0] =	vst.idx.add.f32.msk $0xffff, v3  }
0x62: {  	s28 =	simm.s32 $0x1F2;
	v7 =	vand.u32 $0xFFFFFC00, v7;
	[tilespmem:v9+s7+$0x0] =	vst.idx.add.f32.msk $0xffff, v3;
	v9 =	vand.u32 $0x7F, v11  }
0x63: {  	v8 =	vor.u32 v9, v7;
	v7 =	vadd.s32 s28, v0;
	v9 =	vld.idx.msk [tilespmem:v13+s2+$0x0], $0xffff  }
0x64: {  	v12 =	vadd.s32 s28, v6;
	v11 =	vadd.s32 v2, v8;
	vm12 =	vgt.u32 v7, $0x1FF  }
0x65: {  	s29 =	simm.s32 $0x1F3;
	v7 =	vsel vm12, v12, v7  }
0x66: {  	v14 =	vadd.s32 s29, v6;
	v12 =	vshll.u32 v7, $0x3  }
0x67: {  	v13 =	vadd.s32 s29, v0;
	v7 =	vand.u32 $0x7F, v7;
	v12 =	vand.u32 $0xFFFFFC00, v12  }
0x68: {  	vm13 =	vgt.u32 v13, $0x1FF;
	v12 =	vor.u32 v7, v12;
	v9 =	vadd.s32 v1, v9  }
0x69: {  	v7 =	vsel vm13, v14, v13;
	v11 =	vld.idx.msk [tilespmem:v11+s2+$0x0], $0xffff;
	v13 =	vadd.s32 v2, v12  }
0x6a: {  	v10 =	vadd.s32 v4, v10  }
0x6b: {  	s30 =	simm.s32 $0x1F4  }
0x6c: {  	v16 =	vadd.s32 s30, v6;
	v15 =	vadd.s32 s30, v0;
	v14 =	vshll.u32 v7, $0x3  }
0x6d: {  	vm14 =	vgt.u32 v15, $0x1FF;
	v7 =	vand.u32 $0x7F, v7;
	v14 =	vand.u32 $0xFFFFFC00, v14;
	[tilespmem:v9+s7+$0x0] =	vst.idx.add.f32.msk $0xffff, v3  }
0x6e: {  	v7 =	vor.u32 v7, v14;
	v14 =	vsel vm14, v16, v15;
	v13 =	vld.idx.msk [tilespmem:v13+s2+$0x0], $0xffff;
	v11 =	vadd.s32 v1, v11  }
0x6f: {  	v15 =	vadd.s32 v2, v7;
	v16 =	vshll.u32 v14, $0x3;
	v10 =	vld.idx.msk [tilespmem:v10+s2+$0x0], $0xffff  }
0x70: {  	v14 =	vand.u32 $0x7F, v14;
	v16 =	vand.u32 $0xFFFFFC00, v16;
	v9 =	vadd.s32 v4, v8  }
0x71: {  	s31 =	simm.s32 $0x1F5;
	v8 =	vor.u32 v14, v16  }
0x72: {  	v14 =	vadd.s32 s31, v0;
	v16 =	vadd.s32 v2, v8  }
0x73: {  	v17 =	vadd.s32 s31, v6;
	vm15 =	vgt.u32 v14, $0x1FF;
	[tilespmem:v11+s7+$0x0] =	vst.idx.add.f32.msk $0xffff, v3;
	v11 =	vadd.s32 v1, v13  }
0x74: {  	v14 =	vsel vm15, v17, v14;
	v15 =	vld.idx.msk [tilespmem:v15+s2+$0x0], $0xffff;
	v10 =	vadd.s32 v5, v10  }
0x75: {  	v17 =	vshll.u32 v14, $0x3;
	v13 =	vadd.s32 v4, v12;
	v9 =	vld.idx.msk [tilespmem:v9+s2+$0x0], $0xffff  }
0x76: {  	v14 =	vand.u32 $0x7F, v14;
	v17 =	vand.u32 $0xFFFFFC00, v17  }
0x77: {  	s12 =	simm.s32 $0x1F6;
	v12 =	vor.u32 v14, v17;
	v14 =	vld.idx.msk [tilespmem:v16+s2+$0x0], $0xffff  }
.LBB2_4:
0x78: {  	v16 =	vadd.s32 s12, v0;
	v17 =	vadd.s32 v2, v12;
	[tilespmem:v11+s7+$0x0] =	vst.idx.add.f32.msk $0xffff, v3;
	p0 =	sne.s32 s12, $0x1FF  }
.Ltmp1:
0x79: {  	v18 =	vadd.s32 s12, v6;
	v11 =	vadd.s32 v1, v15;
	vm0 =	vgt.u32 v16, $0x1FF;
	[tilespmem:v10+s7+$0x0] =	vst.idx.add.f32.msk $0xffff, v3;
	(pc) =	sbr.rel @p0 .LBB2_4-.Ltmp1, $4  }
0x7a: {  	v10 =	vadd.s32 v5, v9;
	v15 =	vsel vm0, v18, v16;
	v9 =	vld.idx.msk [tilespmem:v13+s2+$0x0], $0xffff  }
0x7b: {  	s12 =	sadd.s32 $0x1, s12;
	v13 =	vadd.s32 v4, v7;
	v7 =	vmovc v8;
	v8 =	vmov v12;
	v16 =	vshll.u32 v15, $0x3  }
0x7c: {  	v12 =	vand.u32 $0x7F, v15;
	v16 =	vand.u32 $0xFFFFFC00, v16  }
0x7d: {  	v12 =	vor.u32 v12, v16;
	v15 =	vmov v14;
	v14 =	vld.idx.msk [tilespmem:v17+s2+$0x0], $0xffff  }
0x7e: {  	v16 =	vadd.s32 v2, v12;
	_ =	sdelay $0x4  }
0x7f: {  	v16 =	vld.idx.msk [tilespmem:v16+s2+$0x0], $0xffff  }
0x80: {  	v15 =	vadd.s32 v1, v15  }
0x81: {  	v7 =	vadd.s32 v4, v7  }
0x82: {  	v14 =	vadd.s32 v1, v14  }
0x83: {  	[tilespmem:v11+s7+$0x0] =	vst.idx.add.f32.msk $0xffff, v3;
	v8 =	vadd.s32 v4, v8  }
0x84: {  	v11 =	vld.idx.msk [tilespmem:v13+s2+$0x0], $0xffff;
	v61 =	vadd.s32 v1, v16  }
0x85: {  	v62 =	vadd.s32 v4, v12;
	[tilespmem:v15+s7+$0x0] =	vst.idx.add.f32.msk $0xffff, v3  }
0x86: {  	v7 =	vld.idx.msk [tilespmem:v7+s2+$0x0], $0xffff  }
0x87: {  	[tilespmem:v14+s7+$0x0] =	vst.idx.add.f32.msk $0xffff, v3  }
0x88: {  	v8 =	vld.idx.msk [tilespmem:v8+s2+$0x0], $0xffff  }
0x89: {  	[tilespmem:v61+s7+$0x0] =	vst.idx.add.f32.msk $0xffff, v3  }
0x8a: {  	v12 =	vld.idx.msk [tilespmem:v62+s2+$0x0], $0xffff  }
0x8b: {  	v9 =	vadd.s32 v5, v9  }
0x8c: {  	v11 =	vadd.s32 v5, v11  }
0x8d: {  	v7 =	vadd.s32 v5, v7  }
0x8e: {  	v8 =	vadd.s32 v5, v8  }
0x8f: {  	[tilespmem:v10+s7+$0x0] =	vst.idx.add.f32.msk $0xffff, v3;
	v63 =	vadd.s32 v5, v12  }
0x90: {  	[tilespmem:v9+s7+$0x0] =	vst.idx.add.f32.msk $0xffff, v3  }
0x91: {  	[tilespmem:v11+s7+$0x0] =	vst.idx.add.f32.msk $0xffff, v3  }
0x92: {  	s11 =	sadd.s32 $0x1, s11;
	[tilespmem:v7+s7+$0x0] =	vst.idx.add.f32.msk $0xffff, v3  }
0x93: {  	p0 =	sne.s32 s11, s6;
	[tilespmem:v8+s7+$0x0] =	vst.idx.add.f32.msk $0xffff, v3  }
.Ltmp2:
0x94: {  	[tilespmem:v63+s7+$0x0] =	vst.idx.add.f32.msk $0xffff, v3;
	(pc) =	sbr.rel @p0 .LBB2_1-.Ltmp2, $4  }
0x95: {  	[hbm4b:s5+s2] =	stream.linear.scatter [tilespmem:s7], [sflag:$0x3], $0x2100, $0x38;
	[tilespmem:$0x6100] =	vst v63  }
0x96: {  	_ =	swait.ge [sflag:s10], $0x2100  }
0x97: {  	[sflag:s10] =	ssyncset.done $0x0  }
0x98: {  	[sflag:s10] =	ssyncadd.s32 $0xFFFFDF00  }
0x99: {  	_ =	sfence.sel $0x180000  }
0x9a: {  	[bflag:$0x0] =	sbarrier.arrive $0xFFFF  }
0x9b: {  	p0 =	sne.s32 s0, $0x0;
	_ =	strace $0x90000047  }
0x9c: {  	s0 =	sadd.s32 @!p0 $0x100000, s1;
	[bflag:$0x2] =	sbarrier.arrive $0xFFFF  }
0x9d: {  	[sflag:s0] =	ssyncadd.tile.s32 @!p0 $0x1;
	_ =	shalt  }
.Lfunc_end2:
_tile_overlayer_lowered:
.L_overlay_start_2:
0x9e: {  	(tag) =	ssettag $0x2  }
0x9f: {  	s0 =	rddreg [dreg:$0x0];
	s2 =	stileid.u32  }
0xa0: {  	s1 =	rddreg [dreg:$0x1];
	p0 =	sne.s32 s2, $0x0  }
0xa1: {  	s3 =	rddreg [dreg:$0x2];
	[bflag:$0x3] =	sbarrier.arrive $0xFFFF;
	s2 =	simm.s32 @!p0 $0x1C03  }
0xa2: {  	[timem:s3], [sflag:s2] =	dma.local @!p0 [hbm:s0], s1  }
0xa3: {  	s0 =	simm.s32 @!p0 $0x3  }
0xa4: {  	_ =	swait.ge @!p0 [sflag:s0], s1  }
0xa5: {  	s1 =	ssub.s32 @!p0 $0x0, s1;
	[sflag:s0] =	ssyncset.done @!p0 $0x0  }
0xa6: {  	[sflag:s0] =	ssyncadd.s32 @!p0 s1  }
0xa7: {  	[bflag:$0x3] =	sbarrier.arrive $0xFFFF  }
0xa8: {  	_ =	shalt  }

</sc_bundles>
